<compile_context>
chip_gen: v7x
topology: tpu7x:2x2x1
jax: 0.10.2.dev20260603
libtpu: 0.0.44.dev20260713+nightly
codegen_flags: <defaults>
</compile_context>

<pallas_src>
import functools

import jax
import jax.numpy as jnp
import numpy as np
from jax.experimental import pallas as pl

TB = 8
GP = 256


def _lroll(a, k):
    if k == 0:
        return a
    return jnp.concatenate([a[..., k:], a[..., :k]], axis=-1)


def _net_kernel(x_ref, w1s_ref, b1_ref, mask_ref, w2r_ref, sel0_ref, wl_ref,
                bl_ref, out_ref):
    w1s = w1s_ref[...]
    ms = []
    for i in range(TB):
        m = jnp.dot(w1s, x_ref[i],
                    preferred_element_type=jnp.float32).astype(jnp.bfloat16)
        ms.append(m)
    mbig = jnp.concatenate(ms, axis=1)
    acc = jnp.broadcast_to(b1_ref[...], (16, TB * GP))
    for t in range(9):
        dy, dx = t // 3, t % 3
        off = (dy - 1) * 15 + (dx - 1)
        acc = acc + _lroll(mbig[16 * t:16 * (t + 1), :], off) * mask_ref[t:t + 1, :]
    ax = jnp.maximum(jnp.maximum(acc, _lroll(acc, 1)), _lroll(acc, 2))
    ay = jnp.maximum(jnp.maximum(ax, _lroll(ax, 15)), _lroll(ax, 30))
    xrow = jnp.concatenate([_lroll(ay, 2 * dx) for dx in range(5)], axis=0)
    g = jnp.dot(w2r_ref[...], xrow, preferred_element_type=jnp.float32)
    d = g[0:32]
    for dy in range(1, 5):
        d = d + _lroll(g[32 * dy:32 * (dy + 1)], 30 * dy)
    e = jnp.maximum(jnp.maximum(d, _lroll(d, 2)), _lroll(d, 4))
    f = jnp.maximum(jnp.maximum(e, _lroll(e, 30)), _lroll(e, 60))
    fall = jnp.dot(f.astype(jnp.bfloat16), sel0_ref[...],
                   preferred_element_type=jnp.float32)
    logits = jnp.dot(wl_ref[...], fall.astype(jnp.bfloat16),
                     preferred_element_type=jnp.float32) + bl_ref[...]
    z = logits - jnp.max(logits, axis=0, keepdims=True)
    ez = jnp.exp(z)
    out_ref[0] = ez / jnp.sum(ez, axis=0, keepdims=True)


@functools.partial(jax.jit, static_argnames=())
def kernel(x, W1, b1, W2, Wl, bl):
    B, C, H, W = x.shape
    S = H * W
    x2 = jnp.pad(x.reshape(B, C, S),
                 ((0, 0), (0, 0), (0, GP - S))).astype(jnp.bfloat16)
    w1s = jnp.transpose(W1, (2, 3, 0, 1)).reshape(9 * 16, C).astype(jnp.bfloat16)
    b1c = b1.reshape(16, 1).astype(jnp.bfloat16)
    pp = np.arange(TB * GP) % GP
    yy, xx = np.divmod(pp, W)
    inside = pp < S
    masks = np.zeros((9, TB * GP), dtype=np.float32)
    for t in range(9):
        dy, dx = t // 3, t % 3
        masks[t] = (inside & (yy + dy - 1 >= 0) & (yy + dy - 1 < H)
                    & (xx + dx - 1 >= 0) & (xx + dx - 1 < W))
    mask9 = jnp.asarray(masks, dtype=jnp.bfloat16)
    w2r = jnp.transpose(W2, (2, 0, 3, 1)).reshape(160, 80).astype(jnp.bfloat16)
    sel0n = np.zeros((TB * GP, TB), dtype=np.float32)
    for i in range(TB):
        sel0n[GP * i, i] = 1.0
    sel0 = jnp.asarray(sel0n, dtype=jnp.bfloat16)
    wlb = Wl.astype(jnp.bfloat16)
    blc = bl.reshape(2, 1)

    grid = (B // TB,)
    out = pl.pallas_call(
        _net_kernel,
        grid=grid,
        in_specs=[
            pl.BlockSpec((TB, C, GP), lambda i: (i, 0, 0)),
            pl.BlockSpec((144, C), lambda i: (0, 0)),
            pl.BlockSpec((16, 1), lambda i: (0, 0)),
            pl.BlockSpec((9, TB * GP), lambda i: (0, 0)),
            pl.BlockSpec((160, 80), lambda i: (0, 0)),
            pl.BlockSpec((TB * GP, TB), lambda i: (0, 0)),
            pl.BlockSpec((2, 32), lambda i: (0, 0)),
            pl.BlockSpec((2, 1), lambda i: (0, 0)),
        ],
        out_specs=pl.BlockSpec((1, 2, TB), lambda i: (i, 0, 0)),
        out_shape=jax.ShapeDtypeStruct((B // TB, 2, TB), jnp.float32),
    )(x2, w1s, b1c, mask9, w2r, sel0, wlb, blc)
    return out.transpose(0, 2, 1).reshape(B, 2)

# --- scband reference (transcript-rebuilt; emitter-appended) ---
"""Pipeline reference for scband-sparse-net-12489764897164 (READ-ONLY COPY).

The authoritative reference and input builder live on the scoring server;
editing this copy changes nothing except your own understanding.
"""

import jax, jax.numpy as jnp
import numpy as np


def _conv(x, w, stride, padding):
    return jax.lax.conv_general_dilated(
        x, w, (stride, stride), padding,
        dimension_numbers=("NCHW", "OIHW", "NCHW"))


def _maxpool(x, size, stride):
    return jax.lax.reduce_window(
        x, -jnp.inf, jax.lax.max,
        (1, 1, size, size), (1, 1, stride, stride), "VALID")


def setup_inputs(seed: int = 0) -> dict:
    key = jax.random.key(seed)
    ks = jax.random.split(key, 5)
    x = jax.random.normal(ks[0], (1024, 200, 15, 15), dtype=jnp.float32)
    # SubmanifoldConvolution(2, 200, 16, 3, bias=True)
    W1 = jax.random.normal(ks[1], (16, 200, 3, 3), dtype=jnp.float32) * 0.02
    b1 = jnp.zeros((16,), dtype=jnp.float32)
    # Convolution(2, 16, 32, 5, 1, bias=False)
    W2 = jax.random.normal(ks[2], (32, 16, 5, 5), dtype=jnp.float32) * 0.02
    # nn.Linear(32, 2)
    Wl = jax.random.normal(ks[3], (2, 32), dtype=jnp.float32) * 0.1
    bl = jnp.zeros((2,), dtype=jnp.float32)
    return {"x": x, "W1": W1, "b1": b1, "W2": W2, "Wl": Wl, "bl": bl}


def reference(x, W1, b1, W2, Wl, bl):
    # SubmanifoldConvolution: 3x3, stride 1, preserves spatial size (SAME), with bias
    h = _conv(x, W1, 1, "SAME") + b1[None, :, None, None]
    # MaxPooling(2, 3, 2): 15 -> 7
    h = _maxpool(h, 3, 2)
    # Convolution(2, 16, 32, 5, 1): VALID 5x5, stride 1: 7 -> 3
    h = _conv(h, W2, 1, "VALID")
    # MaxPooling(2, 3, 2): 3 -> 1
    h = _maxpool(h, 3, 2)
    # SparseToDense(2, 32) then view(-1, 32)
    h = h.reshape(-1, 32)
    logits = h @ Wl.T + bl
    return jax.nn.softmax(logits, axis=-1)

if __name__ == "__main__":
    import jax
    _d = setup_inputs()
    print(jax.jit(kernel)(*tuple(_d.values())))

</pallas_src>

<mosaic_0001>
module attributes {stable_mosaic.version = 14 : i64} {
  func.func @_net_kernel(%arg0: i32, %arg1: memref<8x200x256xbf16, #tpu.memory_space<vmem>>, %arg2: memref<144x200xbf16, #tpu.memory_space<vmem>>, %arg3: memref<16x1xbf16, #tpu.memory_space<vmem>>, %arg4: memref<9x2048xbf16, #tpu.memory_space<vmem>>, %arg5: memref<160x80xbf16, #tpu.memory_space<vmem>>, %arg6: memref<2048x8xbf16, #tpu.memory_space<vmem>>, %arg7: memref<2x32xbf16, #tpu.memory_space<vmem>>, %arg8: memref<2x1xf32, #tpu.memory_space<vmem>>, %arg9: memref<1x2x8xf32, #tpu.memory_space<vmem>>) attributes {dimension_semantics = [#tpu.dimension_semantics<arbitrary>], iteration_bounds = array<i64: 128>, scalar_prefetch = 0 : i64, scratch_operands = 0 : i64, tpu.core_type = #tpu.core_type<tc>, window_params = [{transform_indices = @transform_0, window_bounds = array<i64: 8, 200, 256>}, {pipeline_mode = #tpu.pipeline_mode<synchronous>, transform_indices = @transform_1, window_bounds = array<i64: 144, 200>}, {pipeline_mode = #tpu.pipeline_mode<synchronous>, transform_indices = @transform_2, window_bounds = array<i64: 16, 1>}, {pipeline_mode = #tpu.pipeline_mode<synchronous>, transform_indices = @transform_3, window_bounds = array<i64: 9, 2048>}, {pipeline_mode = #tpu.pipeline_mode<synchronous>, transform_indices = @transform_4, window_bounds = array<i64: 160, 80>}, {pipeline_mode = #tpu.pipeline_mode<synchronous>, transform_indices = @transform_5, window_bounds = array<i64: 2048, 8>}, {pipeline_mode = #tpu.pipeline_mode<synchronous>, transform_indices = @transform_6, window_bounds = array<i64: 2, 32>}, {pipeline_mode = #tpu.pipeline_mode<synchronous>, transform_indices = @transform_7, window_bounds = array<i64: 2, 1>}, {transform_indices = @transform_8, window_bounds = array<i64: 1, 2, 8>}]} {
    %get3A = arith.constant 0 : index
    %get3A_0 = arith.constant 0 : index
    %get3A_1 = vector.load %arg2[%get3A, %get3A_0] : memref<144x200xbf16, #tpu.memory_space<vmem>>, vector<144x200xbf16>
    %get3A_2 = arith.constant 0 : index
    %get3A_3 = arith.constant 0 : index
    %get3A_4 = arith.constant 0 : index
    %get3A_5 = vector.load %arg1[%get3A_2, %get3A_3, %get3A_4] : memref<8x200x256xbf16, #tpu.memory_space<vmem>>, vector<1x200x256xbf16>
    %get3A_6 = vector.shape_cast %get3A_5 : vector<1x200x256xbf16> to vector<200x256xbf16>
    %dot_general3A = arith.constant dense<0.000000e+00> : vector<144x256xf32>
    %dot_general3A_7 = tpu.matmul %get3A_1, %get3A_6, %dot_general3A {dimension_numbers = #tpu.dot_dimension_numbers<[1], [0], [0], [1], [0, 0, 1, 1], [], []>, transpose_lhs_hint = false} : vector<144x200xbf16>, vector<200x256xbf16>, vector<144x256xf32> -> vector<144x256xf32>
    %convert_element_type3A = arith.truncf %dot_general3A_7 : vector<144x256xf32> to vector<144x256xbf16>
    %get3A_8 = arith.constant 1 : index
    %get3A_9 = arith.constant 0 : index
    %get3A_10 = arith.constant 0 : index
    %get3A_11 = vector.load %arg1[%get3A_8, %get3A_9, %get3A_10] : memref<8x200x256xbf16, #tpu.memory_space<vmem>>, vector<1x200x256xbf16>
    %get3A_12 = vector.shape_cast %get3A_11 : vector<1x200x256xbf16> to vector<200x256xbf16>
    %dot_general3A_13 = arith.constant dense<0.000000e+00> : vector<144x256xf32>
    %dot_general3A_14 = tpu.matmul %get3A_1, %get3A_12, %dot_general3A_13 {dimension_numbers = #tpu.dot_dimension_numbers<[1], [0], [0], [1], [0, 0, 1, 1], [], []>, transpose_lhs_hint = false} : vector<144x200xbf16>, vector<200x256xbf16>, vector<144x256xf32> -> vector<144x256xf32>
    %convert_element_type3A_15 = arith.truncf %dot_general3A_14 : vector<144x256xf32> to vector<144x256xbf16>
    %get3A_16 = arith.constant 2 : index
    %get3A_17 = arith.constant 0 : index
    %get3A_18 = arith.constant 0 : index
    %get3A_19 = vector.load %arg1[%get3A_16, %get3A_17, %get3A_18] : memref<8x200x256xbf16, #tpu.memory_space<vmem>>, vector<1x200x256xbf16>
    %get3A_20 = vector.shape_cast %get3A_19 : vector<1x200x256xbf16> to vector<200x256xbf16>
    %dot_general3A_21 = arith.constant dense<0.000000e+00> : vector<144x256xf32>
    %dot_general3A_22 = tpu.matmul %get3A_1, %get3A_20, %dot_general3A_21 {dimension_numbers = #tpu.dot_dimension_numbers<[1], [0], [0], [1], [0, 0, 1, 1], [], []>, transpose_lhs_hint = false} : vector<144x200xbf16>, vector<200x256xbf16>, vector<144x256xf32> -> vector<144x256xf32>
    %convert_element_type3A_23 = arith.truncf %dot_general3A_22 : vector<144x256xf32> to vector<144x256xbf16>
    %get3A_24 = arith.constant 3 : index
    %get3A_25 = arith.constant 0 : index
    %get3A_26 = arith.constant 0 : index
    %get3A_27 = vector.load %arg1[%get3A_24, %get3A_25, %get3A_26] : memref<8x200x256xbf16, #tpu.memory_space<vmem>>, vector<1x200x256xbf16>
    %get3A_28 = vector.shape_cast %get3A_27 : vector<1x200x256xbf16> to vector<200x256xbf16>
    %dot_general3A_29 = arith.constant dense<0.000000e+00> : vector<144x256xf32>
    %dot_general3A_30 = tpu.matmul %get3A_1, %get3A_28, %dot_general3A_29 {dimension_numbers = #tpu.dot_dimension_numbers<[1], [0], [0], [1], [0, 0, 1, 1], [], []>, transpose_lhs_hint = false} : vector<144x200xbf16>, vector<200x256xbf16>, vector<144x256xf32> -> vector<144x256xf32>
    %convert_element_type3A_31 = arith.truncf %dot_general3A_30 : vector<144x256xf32> to vector<144x256xbf16>
    %get3A_32 = arith.constant 4 : index
    %get3A_33 = arith.constant 0 : index
    %get3A_34 = arith.constant 0 : index
    %get3A_35 = vector.load %arg1[%get3A_32, %get3A_33, %get3A_34] : memref<8x200x256xbf16, #tpu.memory_space<vmem>>, vector<1x200x256xbf16>
    %get3A_36 = vector.shape_cast %get3A_35 : vector<1x200x256xbf16> to vector<200x256xbf16>
    %dot_general3A_37 = arith.constant dense<0.000000e+00> : vector<144x256xf32>
    %dot_general3A_38 = tpu.matmul %get3A_1, %get3A_36, %dot_general3A_37 {dimension_numbers = #tpu.dot_dimension_numbers<[1], [0], [0], [1], [0, 0, 1, 1], [], []>, transpose_lhs_hint = false} : vector<144x200xbf16>, vector<200x256xbf16>, vector<144x256xf32> -> vector<144x256xf32>
    %convert_element_type3A_39 = arith.truncf %dot_general3A_38 : vector<144x256xf32> to vector<144x256xbf16>
    %get3A_40 = arith.constant 5 : index
    %get3A_41 = arith.constant 0 : index
    %get3A_42 = arith.constant 0 : index
    %get3A_43 = vector.load %arg1[%get3A_40, %get3A_41, %get3A_42] : memref<8x200x256xbf16, #tpu.memory_space<vmem>>, vector<1x200x256xbf16>
    %get3A_44 = vector.shape_cast %get3A_43 : vector<1x200x256xbf16> to vector<200x256xbf16>
    %dot_general3A_45 = arith.constant dense<0.000000e+00> : vector<144x256xf32>
    %dot_general3A_46 = tpu.matmul %get3A_1, %get3A_44, %dot_general3A_45 {dimension_numbers = #tpu.dot_dimension_numbers<[1], [0], [0], [1], [0, 0, 1, 1], [], []>, transpose_lhs_hint = false} : vector<144x200xbf16>, vector<200x256xbf16>, vector<144x256xf32> -> vector<144x256xf32>
    %convert_element_type3A_47 = arith.truncf %dot_general3A_46 : vector<144x256xf32> to vector<144x256xbf16>
    %get3A_48 = arith.constant 6 : index
    %get3A_49 = arith.constant 0 : index
    %get3A_50 = arith.constant 0 : index
    %get3A_51 = vector.load %arg1[%get3A_48, %get3A_49, %get3A_50] : memref<8x200x256xbf16, #tpu.memory_space<vmem>>, vector<1x200x256xbf16>
    %get3A_52 = vector.shape_cast %get3A_51 : vector<1x200x256xbf16> to vector<200x256xbf16>
    %dot_general3A_53 = arith.constant dense<0.000000e+00> : vector<144x256xf32>
    %dot_general3A_54 = tpu.matmul %get3A_1, %get3A_52, %dot_general3A_53 {dimension_numbers = #tpu.dot_dimension_numbers<[1], [0], [0], [1], [0, 0, 1, 1], [], []>, transpose_lhs_hint = false} : vector<144x200xbf16>, vector<200x256xbf16>, vector<144x256xf32> -> vector<144x256xf32>
    %convert_element_type3A_55 = arith.truncf %dot_general3A_54 : vector<144x256xf32> to vector<144x256xbf16>
    %get3A_56 = arith.constant 7 : index
    %get3A_57 = arith.constant 0 : index
    %get3A_58 = arith.constant 0 : index
    %get3A_59 = vector.load %arg1[%get3A_56, %get3A_57, %get3A_58] : memref<8x200x256xbf16, #tpu.memory_space<vmem>>, vector<1x200x256xbf16>
    %get3A_60 = vector.shape_cast %get3A_59 : vector<1x200x256xbf16> to vector<200x256xbf16>
    %dot_general3A_61 = arith.constant dense<0.000000e+00> : vector<144x256xf32>
    %dot_general3A_62 = tpu.matmul %get3A_1, %get3A_60, %dot_general3A_61 {dimension_numbers = #tpu.dot_dimension_numbers<[1], [0], [0], [1], [0, 0, 1, 1], [], []>, transpose_lhs_hint = false} : vector<144x200xbf16>, vector<200x256xbf16>, vector<144x256xf32> -> vector<144x256xf32>
    %convert_element_type3A_63 = arith.truncf %dot_general3A_62 : vector<144x256xf32> to vector<144x256xbf16>
    %concatenate3A = tpu.concatenate %convert_element_type3A, %convert_element_type3A_15, %convert_element_type3A_23, %convert_element_type3A_31, %convert_element_type3A_39, %convert_element_type3A_47, %convert_element_type3A_55, %convert_element_type3A_63 in 1 : vector<144x256xbf16>, vector<144x256xbf16>, vector<144x256xbf16>, vector<144x256xbf16>, vector<144x256xbf16>, vector<144x256xbf16>, vector<144x256xbf16>, vector<144x256xbf16> -> vector<144x2048xbf16>
    %get3A_64 = arith.constant 0 : index
    %get3A_65 = arith.constant 0 : index
    %get3A_66 = vector.load %arg3[%get3A_64, %get3A_65] : memref<16x1xbf16, #tpu.memory_space<vmem>>, vector<16x1xbf16>
    %broadcast_in_dim3A = vector.shape_cast %get3A_66 : vector<16x1xbf16> to vector<16x1xbf16>
    %broadcast_in_dim3A_67 = vector.broadcast %broadcast_in_dim3A : vector<16x1xbf16> to vector<16x2048xbf16>
    %slice3A = vector.extract_strided_slice %concatenate3A {offsets = [0, 0], sizes = [16, 2048], strides = [1, 1]} : vector<144x2048xbf16> to vector<16x2048xbf16>
    %slice3A_68 = vector.extract_strided_slice %slice3A {offsets = [0, 2032], sizes = [16, 16], strides = [1, 1]} : vector<16x2048xbf16> to vector<16x16xbf16>
    %slice3A_69 = vector.extract_strided_slice %slice3A {offsets = [0, 0], sizes = [16, 2032], strides = [1, 1]} : vector<16x2048xbf16> to vector<16x2032xbf16>
    %concatenate3A_70 = tpu.concatenate %slice3A_68, %slice3A_69 in 1 : vector<16x16xbf16>, vector<16x2032xbf16> -> vector<16x2048xbf16>
    %get3A_71 = arith.constant 0 : index
    %get3A_72 = arith.constant 0 : index
    %get3A_73 = vector.load %arg4[%get3A_71, %get3A_72] : memref<9x2048xbf16, #tpu.memory_space<vmem>>, vector<1x2048xbf16>
    %mul3A = vector.broadcast %get3A_73 : vector<1x2048xbf16> to vector<16x2048xbf16>
    %mul3A_74 = arith.mulf %concatenate3A_70, %mul3A : vector<16x2048xbf16>
    %add3A = arith.addf %broadcast_in_dim3A_67, %mul3A_74 : vector<16x2048xbf16>
    %slice3A_75 = vector.extract_strided_slice %concatenate3A {offsets = [16, 0], sizes = [16, 2048], strides = [1, 1]} : vector<144x2048xbf16> to vector<16x2048xbf16>
    %slice3A_76 = vector.extract_strided_slice %slice3A_75 {offsets = [0, 2033], sizes = [16, 15], strides = [1, 1]} : vector<16x2048xbf16> to vector<16x15xbf16>
    %slice3A_77 = vector.extract_strided_slice %slice3A_75 {offsets = [0, 0], sizes = [16, 2033], strides = [1, 1]} : vector<16x2048xbf16> to vector<16x2033xbf16>
    %concatenate3A_78 = tpu.concatenate %slice3A_76, %slice3A_77 in 1 : vector<16x15xbf16>, vector<16x2033xbf16> -> vector<16x2048xbf16>
    %get3A_79 = arith.constant 1 : index
    %get3A_80 = arith.constant 0 : index
    %get3A_81 = vector.load %arg4[%get3A_79, %get3A_80] : memref<9x2048xbf16, #tpu.memory_space<vmem>>, vector<1x2048xbf16>
    %mul3A_82 = vector.broadcast %get3A_81 : vector<1x2048xbf16> to vector<16x2048xbf16>
    %mul3A_83 = arith.mulf %concatenate3A_78, %mul3A_82 : vector<16x2048xbf16>
    %add3A_84 = arith.addf %add3A, %mul3A_83 : vector<16x2048xbf16>
    %slice3A_85 = vector.extract_strided_slice %concatenate3A {offsets = [32, 0], sizes = [16, 2048], strides = [1, 1]} : vector<144x2048xbf16> to vector<16x2048xbf16>
    %slice3A_86 = vector.extract_strided_slice %slice3A_85 {offsets = [0, 2034], sizes = [16, 14], strides = [1, 1]} : vector<16x2048xbf16> to vector<16x14xbf16>
    %slice3A_87 = vector.extract_strided_slice %slice3A_85 {offsets = [0, 0], sizes = [16, 2034], strides = [1, 1]} : vector<16x2048xbf16> to vector<16x2034xbf16>
    %concatenate3A_88 = tpu.concatenate %slice3A_86, %slice3A_87 in 1 : vector<16x14xbf16>, vector<16x2034xbf16> -> vector<16x2048xbf16>
    %get3A_89 = arith.constant 2 : index
    %get3A_90 = arith.constant 0 : index
    %get3A_91 = vector.load %arg4[%get3A_89, %get3A_90] : memref<9x2048xbf16, #tpu.memory_space<vmem>>, vector<1x2048xbf16>
    %mul3A_92 = vector.broadcast %get3A_91 : vector<1x2048xbf16> to vector<16x2048xbf16>
    %mul3A_93 = arith.mulf %concatenate3A_88, %mul3A_92 : vector<16x2048xbf16>
    %add3A_94 = arith.addf %add3A_84, %mul3A_93 : vector<16x2048xbf16>
    %slice3A_95 = vector.extract_strided_slice %concatenate3A {offsets = [48, 0], sizes = [16, 2048], strides = [1, 1]} : vector<144x2048xbf16> to vector<16x2048xbf16>
    %slice3A_96 = vector.extract_strided_slice %slice3A_95 {offsets = [0, 2047], sizes = [16, 1], strides = [1, 1]} : vector<16x2048xbf16> to vector<16x1xbf16>
    %slice3A_97 = vector.extract_strided_slice %slice3A_95 {offsets = [0, 0], sizes = [16, 2047], strides = [1, 1]} : vector<16x2048xbf16> to vector<16x2047xbf16>
    %concatenate3A_98 = tpu.concatenate %slice3A_96, %slice3A_97 in 1 : vector<16x1xbf16>, vector<16x2047xbf16> -> vector<16x2048xbf16>
    %get3A_99 = arith.constant 3 : index
    %get3A_100 = arith.constant 0 : index
    %get3A_101 = vector.load %arg4[%get3A_99, %get3A_100] : memref<9x2048xbf16, #tpu.memory_space<vmem>>, vector<1x2048xbf16>
    %mul3A_102 = vector.broadcast %get3A_101 : vector<1x2048xbf16> to vector<16x2048xbf16>
    %mul3A_103 = arith.mulf %concatenate3A_98, %mul3A_102 : vector<16x2048xbf16>
    %add3A_104 = arith.addf %add3A_94, %mul3A_103 : vector<16x2048xbf16>
    %slice3A_105 = vector.extract_strided_slice %concatenate3A {offsets = [64, 0], sizes = [16, 2048], strides = [1, 1]} : vector<144x2048xbf16> to vector<16x2048xbf16>
    %get3A_106 = arith.constant 4 : index
    %get3A_107 = arith.constant 0 : index
    %get3A_108 = vector.load %arg4[%get3A_106, %get3A_107] : memref<9x2048xbf16, #tpu.memory_space<vmem>>, vector<1x2048xbf16>
    %mul3A_109 = vector.broadcast %get3A_108 : vector<1x2048xbf16> to vector<16x2048xbf16>
    %mul3A_110 = arith.mulf %slice3A_105, %mul3A_109 : vector<16x2048xbf16>
    %add3A_111 = arith.addf %add3A_104, %mul3A_110 : vector<16x2048xbf16>
    %slice3A_112 = vector.extract_strided_slice %concatenate3A {offsets = [80, 0], sizes = [16, 2048], strides = [1, 1]} : vector<144x2048xbf16> to vector<16x2048xbf16>
    %slice3A_113 = vector.extract_strided_slice %slice3A_112 {offsets = [0, 1], sizes = [16, 2047], strides = [1, 1]} : vector<16x2048xbf16> to vector<16x2047xbf16>
    %slice3A_114 = vector.extract_strided_slice %slice3A_112 {offsets = [0, 0], sizes = [16, 1], strides = [1, 1]} : vector<16x2048xbf16> to vector<16x1xbf16>
    %concatenate3A_115 = tpu.concatenate %slice3A_113, %slice3A_114 in 1 : vector<16x2047xbf16>, vector<16x1xbf16> -> vector<16x2048xbf16>
    %get3A_116 = arith.constant 5 : index
    %get3A_117 = arith.constant 0 : index
    %get3A_118 = vector.load %arg4[%get3A_116, %get3A_117] : memref<9x2048xbf16, #tpu.memory_space<vmem>>, vector<1x2048xbf16>
    %mul3A_119 = vector.broadcast %get3A_118 : vector<1x2048xbf16> to vector<16x2048xbf16>
    %mul3A_120 = arith.mulf %concatenate3A_115, %mul3A_119 : vector<16x2048xbf16>
    %add3A_121 = arith.addf %add3A_111, %mul3A_120 : vector<16x2048xbf16>
    %slice3A_122 = vector.extract_strided_slice %concatenate3A {offsets = [96, 0], sizes = [16, 2048], strides = [1, 1]} : vector<144x2048xbf16> to vector<16x2048xbf16>
    %slice3A_123 = vector.extract_strided_slice %slice3A_122 {offsets = [0, 14], sizes = [16, 2034], strides = [1, 1]} : vector<16x2048xbf16> to vector<16x2034xbf16>
    %slice3A_124 = vector.extract_strided_slice %slice3A_122 {offsets = [0, 0], sizes = [16, 14], strides = [1, 1]} : vector<16x2048xbf16> to vector<16x14xbf16>
    %concatenate3A_125 = tpu.concatenate %slice3A_123, %slice3A_124 in 1 : vector<16x2034xbf16>, vector<16x14xbf16> -> vector<16x2048xbf16>
    %get3A_126 = arith.constant 6 : index
    %get3A_127 = arith.constant 0 : index
    %get3A_128 = vector.load %arg4[%get3A_126, %get3A_127] : memref<9x2048xbf16, #tpu.memory_space<vmem>>, vector<1x2048xbf16>
    %mul3A_129 = vector.broadcast %get3A_128 : vector<1x2048xbf16> to vector<16x2048xbf16>
    %mul3A_130 = arith.mulf %concatenate3A_125, %mul3A_129 : vector<16x2048xbf16>
    %add3A_131 = arith.addf %add3A_121, %mul3A_130 : vector<16x2048xbf16>
    %slice3A_132 = vector.extract_strided_slice %concatenate3A {offsets = [112, 0], sizes = [16, 2048], strides = [1, 1]} : vector<144x2048xbf16> to vector<16x2048xbf16>
    %slice3A_133 = vector.extract_strided_slice %slice3A_132 {offsets = [0, 15], sizes = [16, 2033], strides = [1, 1]} : vector<16x2048xbf16> to vector<16x2033xbf16>
    %slice3A_134 = vector.extract_strided_slice %slice3A_132 {offsets = [0, 0], sizes = [16, 15], strides = [1, 1]} : vector<16x2048xbf16> to vector<16x15xbf16>
    %concatenate3A_135 = tpu.concatenate %slice3A_133, %slice3A_134 in 1 : vector<16x2033xbf16>, vector<16x15xbf16> -> vector<16x2048xbf16>
    %get3A_136 = arith.constant 7 : index
    %get3A_137 = arith.constant 0 : index
    %get3A_138 = vector.load %arg4[%get3A_136, %get3A_137] : memref<9x2048xbf16, #tpu.memory_space<vmem>>, vector<1x2048xbf16>
    %mul3A_139 = vector.broadcast %get3A_138 : vector<1x2048xbf16> to vector<16x2048xbf16>
    %mul3A_140 = arith.mulf %concatenate3A_135, %mul3A_139 : vector<16x2048xbf16>
    %add3A_141 = arith.addf %add3A_131, %mul3A_140 : vector<16x2048xbf16>
    %slice3A_142 = vector.extract_strided_slice %concatenate3A {offsets = [128, 0], sizes = [16, 2048], strides = [1, 1]} : vector<144x2048xbf16> to vector<16x2048xbf16>
    %slice3A_143 = vector.extract_strided_slice %slice3A_142 {offsets = [0, 16], sizes = [16, 2032], strides = [1, 1]} : vector<16x2048xbf16> to vector<16x2032xbf16>
    %slice3A_144 = vector.extract_strided_slice %slice3A_142 {offsets = [0, 0], sizes = [16, 16], strides = [1, 1]} : vector<16x2048xbf16> to vector<16x16xbf16>
    %concatenate3A_145 = tpu.concatenate %slice3A_143, %slice3A_144 in 1 : vector<16x2032xbf16>, vector<16x16xbf16> -> vector<16x2048xbf16>
    %get3A_146 = arith.constant 8 : index
    %get3A_147 = arith.constant 0 : index
    %get3A_148 = vector.load %arg4[%get3A_146, %get3A_147] : memref<9x2048xbf16, #tpu.memory_space<vmem>>, vector<1x2048xbf16>
    %mul3A_149 = vector.broadcast %get3A_148 : vector<1x2048xbf16> to vector<16x2048xbf16>
    %mul3A_150 = arith.mulf %concatenate3A_145, %mul3A_149 : vector<16x2048xbf16>
    %add3A_151 = arith.addf %add3A_141, %mul3A_150 : vector<16x2048xbf16>
    %slice3A_152 = vector.extract_strided_slice %add3A_151 {offsets = [0, 1], sizes = [16, 2047], strides = [1, 1]} : vector<16x2048xbf16> to vector<16x2047xbf16>
    %slice3A_153 = vector.extract_strided_slice %add3A_151 {offsets = [0, 0], sizes = [16, 1], strides = [1, 1]} : vector<16x2048xbf16> to vector<16x1xbf16>
    %concatenate3A_154 = tpu.concatenate %slice3A_152, %slice3A_153 in 1 : vector<16x2047xbf16>, vector<16x1xbf16> -> vector<16x2048xbf16>
    %max3A = arith.maximumf %add3A_151, %concatenate3A_154 : vector<16x2048xbf16>
    %slice3A_155 = vector.extract_strided_slice %add3A_151 {offsets = [0, 2], sizes = [16, 2046], strides = [1, 1]} : vector<16x2048xbf16> to vector<16x2046xbf16>
    %slice3A_156 = vector.extract_strided_slice %add3A_151 {offsets = [0, 0], sizes = [16, 2], strides = [1, 1]} : vector<16x2048xbf16> to vector<16x2xbf16>
    %concatenate3A_157 = tpu.concatenate %slice3A_155, %slice3A_156 in 1 : vector<16x2046xbf16>, vector<16x2xbf16> -> vector<16x2048xbf16>
    %max3A_158 = arith.maximumf %max3A, %concatenate3A_157 : vector<16x2048xbf16>
    %slice3A_159 = vector.extract_strided_slice %max3A_158 {offsets = [0, 15], sizes = [16, 2033], strides = [1, 1]} : vector<16x2048xbf16> to vector<16x2033xbf16>
    %slice3A_160 = vector.extract_strided_slice %max3A_158 {offsets = [0, 0], sizes = [16, 15], strides = [1, 1]} : vector<16x2048xbf16> to vector<16x15xbf16>
    %concatenate3A_161 = tpu.concatenate %slice3A_159, %slice3A_160 in 1 : vector<16x2033xbf16>, vector<16x15xbf16> -> vector<16x2048xbf16>
    %max3A_162 = arith.maximumf %max3A_158, %concatenate3A_161 : vector<16x2048xbf16>
    %slice3A_163 = vector.extract_strided_slice %max3A_158 {offsets = [0, 30], sizes = [16, 2018], strides = [1, 1]} : vector<16x2048xbf16> to vector<16x2018xbf16>
    %slice3A_164 = vector.extract_strided_slice %max3A_158 {offsets = [0, 0], sizes = [16, 30], strides = [1, 1]} : vector<16x2048xbf16> to vector<16x30xbf16>
    %concatenate3A_165 = tpu.concatenate %slice3A_163, %slice3A_164 in 1 : vector<16x2018xbf16>, vector<16x30xbf16> -> vector<16x2048xbf16>
    %max3A_166 = arith.maximumf %max3A_162, %concatenate3A_165 : vector<16x2048xbf16>
    %slice3A_167 = vector.extract_strided_slice %max3A_166 {offsets = [0, 2], sizes = [16, 2046], strides = [1, 1]} : vector<16x2048xbf16> to vector<16x2046xbf16>
    %slice3A_168 = vector.extract_strided_slice %max3A_166 {offsets = [0, 0], sizes = [16, 2], strides = [1, 1]} : vector<16x2048xbf16> to vector<16x2xbf16>
    %concatenate3A_169 = tpu.concatenate %slice3A_167, %slice3A_168 in 1 : vector<16x2046xbf16>, vector<16x2xbf16> -> vector<16x2048xbf16>
    %slice3A_170 = vector.extract_strided_slice %max3A_166 {offsets = [0, 4], sizes = [16, 2044], strides = [1, 1]} : vector<16x2048xbf16> to vector<16x2044xbf16>
    %slice3A_171 = vector.extract_strided_slice %max3A_166 {offsets = [0, 0], sizes = [16, 4], strides = [1, 1]} : vector<16x2048xbf16> to vector<16x4xbf16>
    %concatenate3A_172 = tpu.concatenate %slice3A_170, %slice3A_171 in 1 : vector<16x2044xbf16>, vector<16x4xbf16> -> vector<16x2048xbf16>
    %slice3A_173 = vector.extract_strided_slice %max3A_166 {offsets = [0, 6], sizes = [16, 2042], strides = [1, 1]} : vector<16x2048xbf16> to vector<16x2042xbf16>
    %slice3A_174 = vector.extract_strided_slice %max3A_166 {offsets = [0, 0], sizes = [16, 6], strides = [1, 1]} : vector<16x2048xbf16> to vector<16x6xbf16>
    %concatenate3A_175 = tpu.concatenate %slice3A_173, %slice3A_174 in 1 : vector<16x2042xbf16>, vector<16x6xbf16> -> vector<16x2048xbf16>
    %slice3A_176 = vector.extract_strided_slice %max3A_166 {offsets = [0, 8], sizes = [16, 2040], strides = [1, 1]} : vector<16x2048xbf16> to vector<16x2040xbf16>
    %slice3A_177 = vector.extract_strided_slice %max3A_166 {offsets = [0, 0], sizes = [16, 8], strides = [1, 1]} : vector<16x2048xbf16> to vector<16x8xbf16>
    %concatenate3A_178 = tpu.concatenate %slice3A_176, %slice3A_177 in 1 : vector<16x2040xbf16>, vector<16x8xbf16> -> vector<16x2048xbf16>
    %concatenate3A_179 = tpu.concatenate %max3A_166, %concatenate3A_169, %concatenate3A_172, %concatenate3A_175, %concatenate3A_178 in 0 : vector<16x2048xbf16>, vector<16x2048xbf16>, vector<16x2048xbf16>, vector<16x2048xbf16>, vector<16x2048xbf16> -> vector<80x2048xbf16>
    %get3A_180 = arith.constant 0 : index
    %get3A_181 = arith.constant 0 : index
    %get3A_182 = vector.load %arg5[%get3A_180, %get3A_181] : memref<160x80xbf16, #tpu.memory_space<vmem>>, vector<160x80xbf16>
    %dot_general3A_183 = arith.constant dense<0.000000e+00> : vector<160x2048xf32>
    %dot_general3A_184 = tpu.matmul %get3A_182, %concatenate3A_179, %dot_general3A_183 {dimension_numbers = #tpu.dot_dimension_numbers<[1], [0], [0], [1], [0, 0, 1, 1], [], []>, transpose_lhs_hint = false} : vector<160x80xbf16>, vector<80x2048xbf16>, vector<160x2048xf32> -> vector<160x2048xf32>
    %slice3A_185 = vector.extract_strided_slice %dot_general3A_184 {offsets = [0, 0], sizes = [32, 2048], strides = [1, 1]} : vector<160x2048xf32> to vector<32x2048xf32>
    %slice3A_186 = vector.extract_strided_slice %dot_general3A_184 {offsets = [32, 0], sizes = [32, 2048], strides = [1, 1]} : vector<160x2048xf32> to vector<32x2048xf32>
    %slice3A_187 = vector.extract_strided_slice %slice3A_186 {offsets = [0, 30], sizes = [32, 2018], strides = [1, 1]} : vector<32x2048xf32> to vector<32x2018xf32>
    %slice3A_188 = vector.extract_strided_slice %slice3A_186 {offsets = [0, 0], sizes = [32, 30], strides = [1, 1]} : vector<32x2048xf32> to vector<32x30xf32>
    %concatenate3A_189 = tpu.concatenate %slice3A_187, %slice3A_188 in 1 : vector<32x2018xf32>, vector<32x30xf32> -> vector<32x2048xf32>
    %add3A_190 = arith.addf %slice3A_185, %concatenate3A_189 : vector<32x2048xf32>
    %slice3A_191 = vector.extract_strided_slice %dot_general3A_184 {offsets = [64, 0], sizes = [32, 2048], strides = [1, 1]} : vector<160x2048xf32> to vector<32x2048xf32>
    %slice3A_192 = vector.extract_strided_slice %slice3A_191 {offsets = [0, 60], sizes = [32, 1988], strides = [1, 1]} : vector<32x2048xf32> to vector<32x1988xf32>
    %slice3A_193 = vector.extract_strided_slice %slice3A_191 {offsets = [0, 0], sizes = [32, 60], strides = [1, 1]} : vector<32x2048xf32> to vector<32x60xf32>
    %concatenate3A_194 = tpu.concatenate %slice3A_192, %slice3A_193 in 1 : vector<32x1988xf32>, vector<32x60xf32> -> vector<32x2048xf32>
    %add3A_195 = arith.addf %add3A_190, %concatenate3A_194 : vector<32x2048xf32>
    %slice3A_196 = vector.extract_strided_slice %dot_general3A_184 {offsets = [96, 0], sizes = [32, 2048], strides = [1, 1]} : vector<160x2048xf32> to vector<32x2048xf32>
    %slice3A_197 = vector.extract_strided_slice %slice3A_196 {offsets = [0, 90], sizes = [32, 1958], strides = [1, 1]} : vector<32x2048xf32> to vector<32x1958xf32>
    %slice3A_198 = vector.extract_strided_slice %slice3A_196 {offsets = [0, 0], sizes = [32, 90], strides = [1, 1]} : vector<32x2048xf32> to vector<32x90xf32>
    %concatenate3A_199 = tpu.concatenate %slice3A_197, %slice3A_198 in 1 : vector<32x1958xf32>, vector<32x90xf32> -> vector<32x2048xf32>
    %add3A_200 = arith.addf %add3A_195, %concatenate3A_199 : vector<32x2048xf32>
    %slice3A_201 = vector.extract_strided_slice %dot_general3A_184 {offsets = [128, 0], sizes = [32, 2048], strides = [1, 1]} : vector<160x2048xf32> to vector<32x2048xf32>
    %slice3A_202 = vector.extract_strided_slice %slice3A_201 {offsets = [0, 120], sizes = [32, 1928], strides = [1, 1]} : vector<32x2048xf32> to vector<32x1928xf32>
    %slice3A_203 = vector.extract_strided_slice %slice3A_201 {offsets = [0, 0], sizes = [32, 120], strides = [1, 1]} : vector<32x2048xf32> to vector<32x120xf32>
    %concatenate3A_204 = tpu.concatenate %slice3A_202, %slice3A_203 in 1 : vector<32x1928xf32>, vector<32x120xf32> -> vector<32x2048xf32>
    %add3A_205 = arith.addf %add3A_200, %concatenate3A_204 : vector<32x2048xf32>
    %slice3A_206 = vector.extract_strided_slice %add3A_205 {offsets = [0, 2], sizes = [32, 2046], strides = [1, 1]} : vector<32x2048xf32> to vector<32x2046xf32>
    %slice3A_207 = vector.extract_strided_slice %add3A_205 {offsets = [0, 0], sizes = [32, 2], strides = [1, 1]} : vector<32x2048xf32> to vector<32x2xf32>
    %concatenate3A_208 = tpu.concatenate %slice3A_206, %slice3A_207 in 1 : vector<32x2046xf32>, vector<32x2xf32> -> vector<32x2048xf32>
    %max3A_209 = arith.maximumf %add3A_205, %concatenate3A_208 : vector<32x2048xf32>
    %slice3A_210 = vector.extract_strided_slice %add3A_205 {offsets = [0, 4], sizes = [32, 2044], strides = [1, 1]} : vector<32x2048xf32> to vector<32x2044xf32>
    %slice3A_211 = vector.extract_strided_slice %add3A_205 {offsets = [0, 0], sizes = [32, 4], strides = [1, 1]} : vector<32x2048xf32> to vector<32x4xf32>
    %concatenate3A_212 = tpu.concatenate %slice3A_210, %slice3A_211 in 1 : vector<32x2044xf32>, vector<32x4xf32> -> vector<32x2048xf32>
    %max3A_213 = arith.maximumf %max3A_209, %concatenate3A_212 : vector<32x2048xf32>
    %slice3A_214 = vector.extract_strided_slice %max3A_213 {offsets = [0, 30], sizes = [32, 2018], strides = [1, 1]} : vector<32x2048xf32> to vector<32x2018xf32>
    %slice3A_215 = vector.extract_strided_slice %max3A_213 {offsets = [0, 0], sizes = [32, 30], strides = [1, 1]} : vector<32x2048xf32> to vector<32x30xf32>
    %concatenate3A_216 = tpu.concatenate %slice3A_214, %slice3A_215 in 1 : vector<32x2018xf32>, vector<32x30xf32> -> vector<32x2048xf32>
    %max3A_217 = arith.maximumf %max3A_213, %concatenate3A_216 : vector<32x2048xf32>
    %slice3A_218 = vector.extract_strided_slice %max3A_213 {offsets = [0, 60], sizes = [32, 1988], strides = [1, 1]} : vector<32x2048xf32> to vector<32x1988xf32>
    %slice3A_219 = vector.extract_strided_slice %max3A_213 {offsets = [0, 0], sizes = [32, 60], strides = [1, 1]} : vector<32x2048xf32> to vector<32x60xf32>
    %concatenate3A_220 = tpu.concatenate %slice3A_218, %slice3A_219 in 1 : vector<32x1988xf32>, vector<32x60xf32> -> vector<32x2048xf32>
    %max3A_221 = arith.maximumf %max3A_217, %concatenate3A_220 : vector<32x2048xf32>
    %convert_element_type3A_222 = arith.truncf %max3A_221 : vector<32x2048xf32> to vector<32x2048xbf16>
    %get3A_223 = arith.constant 0 : index
    %get3A_224 = arith.constant 0 : index
    %get3A_225 = vector.load %arg6[%get3A_223, %get3A_224] : memref<2048x8xbf16, #tpu.memory_space<vmem>>, vector<2048x8xbf16>
    %dot_general3A_226 = arith.constant dense<0.000000e+00> : vector<32x8xf32>
    %dot_general3A_227 = tpu.matmul %convert_element_type3A_222, %get3A_225, %dot_general3A_226 {dimension_numbers = #tpu.dot_dimension_numbers<[1], [0], [0], [1], [0, 0, 1, 1], [], []>, transpose_lhs_hint = false} : vector<32x2048xbf16>, vector<2048x8xbf16>, vector<32x8xf32> -> vector<32x8xf32>
    %get3A_228 = arith.constant 0 : index
    %get3A_229 = arith.constant 0 : index
    %get3A_230 = vector.load %arg7[%get3A_228, %get3A_229] : memref<2x32xbf16, #tpu.memory_space<vmem>>, vector<2x32xbf16>
    %convert_element_type3A_231 = arith.truncf %dot_general3A_227 : vector<32x8xf32> to vector<32x8xbf16>
    %dot_general3A_232 = arith.constant dense<0.000000e+00> : vector<2x8xf32>
    %dot_general3A_233 = tpu.matmul %get3A_230, %convert_element_type3A_231, %dot_general3A_232 {dimension_numbers = #tpu.dot_dimension_numbers<[1], [0], [0], [1], [0, 0, 1, 1], [], []>, transpose_lhs_hint = false} : vector<2x32xbf16>, vector<32x8xbf16>, vector<2x8xf32> -> vector<2x8xf32>
    %get3A_234 = arith.constant 0 : index
    %get3A_235 = arith.constant 0 : index
    %get3A_236 = vector.load %arg8[%get3A_234, %get3A_235] : memref<2x1xf32, #tpu.memory_space<vmem>>, vector<2x1xf32>
    %add3A_237 = vector.broadcast %get3A_236 : vector<2x1xf32> to vector<2x8xf32>
    %add3A_238 = arith.addf %dot_general3A_233, %add3A_237 : vector<2x8xf32>
    %reduce_max3A = arith.constant dense<0xFF800000> : vector<8xf32>
    %reduce_max3A_239 = vector.multi_reduction <maximumf>, %add3A_238, %reduce_max3A [0] : vector<2x8xf32> to vector<8xf32>
    %broadcast_in_dim3A_240 = vector.shape_cast %reduce_max3A_239 : vector<8xf32> to vector<1x8xf32>
    %sub3A = vector.broadcast %broadcast_in_dim3A_240 : vector<1x8xf32> to vector<2x8xf32>
    %sub3A_241 = arith.subf %add3A_238, %sub3A : vector<2x8xf32>
    %exp3A = math.exp %sub3A_241 : vector<2x8xf32>
    %reduce_sum3A = arith.constant dense<0.000000e+00> : vector<8xf32>
    %reduce_sum3A_242 = vector.multi_reduction <add>, %exp3A, %reduce_sum3A [0] : vector<2x8xf32> to vector<8xf32>
    %broadcast_in_dim3A_243 = vector.shape_cast %reduce_sum3A_242 : vector<8xf32> to vector<1x8xf32>
    %div3A = vector.broadcast %broadcast_in_dim3A_243 : vector<1x8xf32> to vector<2x8xf32>
    %div3A_244 = arith.divf %exp3A, %div3A : vector<2x8xf32>
    %swap3A = arith.constant 0 : index
    %swap3A_245 = arith.constant 0 : index
    %swap3A_246 = arith.constant 0 : index
    %swap3A_247 = vector.load %arg9[%swap3A, %swap3A_245, %swap3A_246] : memref<1x2x8xf32, #tpu.memory_space<vmem>>, vector<1x2x8xf32>
    %swap3A_248 = vector.shape_cast %swap3A_247 : vector<1x2x8xf32> to vector<2x8xf32>
    %swap3A_249 = vector.shape_cast %div3A_244 : vector<2x8xf32> to vector<1x2x8xf32>
    tpu.vector_store %arg9[%swap3A, %swap3A_245, %swap3A_246], %swap3A_249 {strides = array<i32>} : memref<1x2x8xf32, #tpu.memory_space<vmem>>, vector<1x2x8xf32>,
    return
  }
  func.func @transform_0(%arg0: i32) -> (i32, i32, i32) {
    %c0_i32 = arith.constant 0 : i32
    %c0_i32_0 = arith.constant 0 : i32
    %c0_i32_1 = arith.constant 0 : i32
    return %arg0, %c0_i32, %c0_i32_0 : i32, i32, i32
  }
  func.func @transform_1(%arg0: i32) -> (i32, i32) {
    %c0_i32 = arith.constant 0 : i32
    %c0_i32_0 = arith.constant 0 : i32
    %c0_i32_1 = arith.constant 0 : i32
    return %c0_i32, %c0_i32_0 : i32, i32
  }
  func.func @transform_2(%arg0: i32) -> (i32, i32) {
    %c0_i32 = arith.constant 0 : i32
    %c0_i32_0 = arith.constant 0 : i32
    %c0_i32_1 = arith.constant 0 : i32
    return %c0_i32, %c0_i32_0 : i32, i32
  }
  func.func @transform_3(%arg0: i32) -> (i32, i32) {
    %c0_i32 = arith.constant 0 : i32
    %c0_i32_0 = arith.constant 0 : i32
    %c0_i32_1 = arith.constant 0 : i32
    return %c0_i32, %c0_i32_0 : i32, i32
  }
  func.func @transform_4(%arg0: i32) -> (i32, i32) {
    %c0_i32 = arith.constant 0 : i32
    %c0_i32_0 = arith.constant 0 : i32
    %c0_i32_1 = arith.constant 0 : i32
    return %c0_i32, %c0_i32_0 : i32, i32
  }
  func.func @transform_5(%arg0: i32) -> (i32, i32) {
    %c0_i32 = arith.constant 0 : i32
    %c0_i32_0 = arith.constant 0 : i32
    %c0_i32_1 = arith.constant 0 : i32
    return %c0_i32, %c0_i32_0 : i32, i32
  }
  func.func @transform_6(%arg0: i32) -> (i32, i32) {
    %c0_i32 = arith.constant 0 : i32
    %c0_i32_0 = arith.constant 0 : i32
    %c0_i32_1 = arith.constant 0 : i32
    return %c0_i32, %c0_i32_0 : i32, i32
  }
  func.func @transform_7(%arg0: i32) -> (i32, i32) {
    %c0_i32 = arith.constant 0 : i32
    %c0_i32_0 = arith.constant 0 : i32
    %c0_i32_1 = arith.constant 0 : i32
    return %c0_i32, %c0_i32_0 : i32, i32
  }
  func.func @transform_8(%arg0: i32) -> (i32, i32, i32) {
    %c0_i32 = arith.constant 0 : i32
    %c0_i32_0 = arith.constant 0 : i32
    %c0_i32_1 = arith.constant 0 : i32
    return %arg0, %c0_i32, %c0_i32_0 : i32, i32, i32
  }
}

</mosaic_0001>

<sc_bundles>
// kernel: sparse-core-data-format-call.cloned.1.call-start
scs
called_computation_lowered:
.L_overlay_start_0:
0x0: {  	s1 =	sld [smem:$0x3FD9]  }
0x1: {  	s2 =	sld [smem:$0x3FFE];
	_ =	sdelay $0x1  }
0x2: {  	s3 =	srdreg.scid  }
0x3: {  	s0 =	sand.u32 $0x1, s3  }
0x4: {  	s17 =	sshll.u32 s0, $0xA;
	s1 =	sadd.s32 s2, s1  }
0x5: {  	s1 =	sadd.s32 s1, s17  }
0x6: {  	[smem:$0x3FC2] =	sst s1  }
0x7: {  	_ = 	snop  }
0x8: {  	(tm) =	ssettm $0x1  }
0x9: {  	s18 =	sld [smem:$0x3FFB];
	_ =	sdelay $0x3  }
0xa: {  	_ =	strace s18  }
0xb: {  	s1 =	sld [smem:$0x3FFC];
	_ =	sdelay $0x3  }
0xc: {  	_ =	strace s1  }
0xd: {  	s1 =	sld [smem:$0x3FFD];
	_ =	sdelay $0x3  }
0xe: {  	_ =	strace s1  }
0xf: {  	_ =	strace $0x8FFFFFFF  }
0x10: {  	s19 =	sld [smem:$0x3FDB];
	_ =	sdelay $0x1  }
0x11: {  	s20 =	simm.s32 $_scs_section_size  }
0x12: {  	s4 =	simm.s32 $_size__tile_overlayer_lowered;
	s5 =	simm.s32 $_tile_overlayer_lowered  }
0x13: {  	s23 =	simm.s32 $0x1BFF;
	s22 =	sshll.u32 s5, $0x1;
	s1 =	sadd.s32 s20, s19  }
0x14: {  	s6 =	simm.s32 $0x0;
	s21 =	sshll.u32 s4, $0x1;
	s4 =	sadd.s32 s22, s1  }
0x15: {  	[timem:s6], [sflag:s23] =	dma.local [hbm:s4], s21  }
0x16: {  	_ =	swait.ge [sflag:s23], s21  }
0x17: {  	s2 =	ssub.s32 $0x0, s21;
	[sflag:s23] =	ssyncset.done $0x0  }
0x18: {  	[sflag:s23] =	ssyncadd.s32 s2;
	_ =	sdelay $0x1  }
0x19: {  	s24 =	simm.s32 $0x1B8B  }
0x1a: {  	_ =	swait.ge [sflag:s24], $0x1  }
0x1b: {  	[sflag:s24] =	ssyncset.done $0x0  }
0x1c: {  	s26 =	simm.s32 $0x1B8E;
	s25 =	sld [smem:$0x3FFE];
	[sflag:s24] =	ssyncadd.s32 $0xFFFFFFFF  }
0x1d: {  	s27 =	simm.s32 $execute0_lowered;
	[smem:$0x3FD2] =	sst s26  }
0x1e: {  	s4 =	sshll.u32 s27, $0x1;
	_ =	strace $0x80000046;
	[dreg:$0x1] =	wrdreg $0xFFFFFFFF  }
0x1f: {  	s28 =	simm.s32 $_size_execute0_lowered;
	s1 =	sadd.s32 s1, s4;
	[dreg:$0x0] =	wrdreg $0x0  }
0x20: {  	s4 =	sshll.u32 s28, $0x1;
	[dreg:$0x2] =	wrdreg s1  }
0x21: {  	[dreg:$0x3] =	wrdreg s4  }
0x22: {  	[dreg:$0x4] =	wrdreg $0xC0  }
0x23: {  	_ =	task [dreg:s6], $0x5FFFF  }
0x24: {  	[dreg:$0x1] =	wrdreg $0xFFFFFFFF  }
0x25: {  	[dreg:$0x0] =	wrdreg $0x60  }
0x26: {  	[dreg:$0x2] =	wrdreg s25  }
0x27: {  	[dreg:$0x3] =	wrdreg $0x9  }
0x28: {  	_ =	task.clear_ibuf [dreg:s6], $0x4FFFF;
	_ =	strace $0x90000046  }
0x29: {  	s29 =	simm.s32 $0x9;
	_ =	strace $0x80000048  }
0x2a: {  	_ =	swait.ge [sflag:s29], $0x1  }
0x2b: {  	[sflag:s29] =	ssyncadd.s32 $0xFFFFFFFF  }
0x2c: {  	_ =	strace $0x90000048  }
0x2d: {  	_ =	sfence  }
0x2e: {  	s30 =	sld [smem:$0x0];
	_ =	sdelay $0x2  }
0x2f: {  	s31 =	sshll.u32 s3, $0xD;
	s3 =	sshrl.u32 s3, $0x2  }
0x30: {  	s2 =	sand.u32 $0x4000, s31;
	s1 =	sadd.s32 s3, s30  }
0x31: {  	s0 =	sor.u32 s2, s0;
	s1 =	sshll.u32 s1, $0x11  }
0x32: {  	s0 =	sor.u32 s1, s0  }
0x33: {  	s0 =	sadd.s32 $0x8F2B, s0  }
0x34: {  	[sflag:s0] =	ssyncadd.remote.s32 $0x1  }
0x35: {  	_ =	sfence.sel $0xFFFF  }
0x36: {  	[dreg:$0x0] =	wrdreg $0xFFFFFFFF;
	(pc) =	sbr.abs _section_cstart, $3  }
0x37: {  	[dreg:$0x1] =	wrdreg $0xFFFFFFFF  }
0x38: {  	_ =	task.clear_ibuf [dreg:s6], $0x2FFFF;
	_ =	strace $0x9FFFFFFF  }
0x39: {  	(tm) =	ssettm $0x7FFFFFFF  }
tec
execute0_lowered:
.L_overlay_start_1:
0x0: {  	(tag) =	ssettag $0x1  }
0x1: {  	s0 =	srdreg.scid  }
0x2: {  	s5 =	rddreg [dreg:$0x0];
	s31 =	simm.s32 $0x2;
	s16 =	simm.s32 $0x0  }
0x3: {  	s11 =	simm.s32 $0x6400;
	s17 =	simm.s32 $0x0;
	s1 =	sshll.u32 s0, $0x4  }
0x4: {  	s15 =	simm.s32 $0x0;
	s0 =	stileid.u32;
	s1 =	sand.u32 $0x10, s1  }
0x5: {  	s14 =	simm.s32 $0x0;
	s4 =	sadd.s32 $0x1200, s5;
	s9 =	sor.u32 s0, s1  }
0x6: {  	s5 =	sadd.s32 $0x2C0400, s5;
	s2 =	sand.u32 $0x2, s0;
	s3 =	sshll.u32 s9, $0x5  }
0x7: {  	s30 =	sshll.u32 s0, $0x7;
	s1 =	rddreg [dreg:$0x1];
	s3 =	sand.u32 $0x380, s3  }
0x8: {  	_ =	strace $0x80000047;
	s6 =	ssub.s32 $0xC8, s2;
	s7 =	ssub.s32 $0x400, s3  }
0x9: {  	s8 =	sshrl.u32 s6, $0x2;
	s6 =	sshrl.u32 s6, $0x1;
	s10 =	sand.u32 $0x380, s7  }
0xa: {  	s6 =	sand.u32 $0x1, s6;
	p0 =	sne.s32 s10, $0x0;
	s10 =	simm.s32 $0x1  }
.Ltmp0:
0xb: {  	s7 =	sshrl.u32 s7, $0xA;
	s10 =	simm.s32 @!p0 $0x0;
	(pc) =	sbr.rel .LBB1_1-.Ltmp0, $4  }
0xc: {  	s8 =	sadd.s32 s8, s6;
	s6 =	simm.s32 $0x1;
	s7 =	sadd.s32 s10, s7  }
0xd: {  	s12 =	smov.u32 s2;
	[sflag:s6] =	ssyncpa.u1 $0x0;
	s7 =	smul.u32 s8, s7  }
0xe: {  	s9 =	sshll.u32 s9, $0x8;
	[sflag:s31] =	ssyncpa.u1 $0x0;
	s8 =	sand.u32 $0x80, s30  }
0xf: {  	p0 =	por $0x0, $0x0;
	s13 =	smov.u32 s8;
	s10 =	sadd.s32 $0x1, s7  }
.LBB1_4:
0x10: {  	v5 =	vld [tilespmem:s21+$0xFFFFFFD0];
	[tilespmem:s20+$0x2040 ss:$0x81] =	vst.msk $0xffff, v4;
	s23 =	sshll.u32 s17, $0x8;
	s24 =	sshll.u32 s15, $0x3  }
0x11: {  	v58 =	vld [tilespmem:s21+$0xFFFFFFE0];
	[tilespmem:s20+$0x2850 ss:$0x81] =	vst.msk $0xffff, v3;
	s27 =	sshll.u32 s17, $0x7;
	s23 =	sand.u32 $0xFFFFF800, s23;
	s24 =	sand.u32 $0xFFFFFC00, s24  }
0x12: {  	s22 =	sshra.s32 s22, $0x2;
	v59 =	vld [tilespmem:s21+$0xFFFFFFF0];
	[tilespmem:s20+$0x3060 ss:$0x81] =	vst.msk $0xffff, v2;
	s17 =	sand.u32 $0x300, s27;
	s23 =	sadd.s32 s24, s23  }
0x13: {  	v60 =	vld [tilespmem:s21+$0x0];
	[tilespmem:s20+$0x0 ss:$0x81] =	vst.msk $0xffff, v0;
	s19 =	sadd.s32 s22, s19;
	s17 =	sor.u32 s17, s23  }
0x14: {  	v61 =	vld [tilespmem:s21+$0x10];
	[tilespmem:s19+$0x3870 ss:$0x81] =	vst.msk $0xffff, v1;
	s17 =	sshrl.u32 s17, $0x8  }
0x15: {  	v62 =	vld [tilespmem:s21+$0x20];
	[tilespmem:s19+$0x810 ss:$0x81] =	vst.msk $0xffff, v5;
	s28 =	smulhi.u32 $0x147AE15, s17  }
0x16: {  	v63 =	vld [tilespmem:s21+$0xFFFFFFC0];
	[tilespmem:s19+$0x1020 ss:$0x81] =	vst.msk $0xffff, v58  }
0x17: {  	s29 =	sshrl.u32 s15, $0x3;
	[tilespmem:s19+$0x1830 ss:$0x81] =	vst.msk $0xffff, v59;
	s20 =	smul.u32 $0xC8, s28  }
0x18: {  	s16 =	smul.u32 $0xC80, s16;
	s21 =	sand.u32 $0xF, s29;
	[tilespmem:s19+$0x2040 ss:$0x81] =	vst.msk $0xffff, v60  }
0x19: {  	s31 =	sand.u32 $0x7, s15;
	s30 =	sadd.s32 s5, s21;
	[tilespmem:s19+$0x2850 ss:$0x81] =	vst.msk $0xffff, v61;
	s17 =	ssub.s32 s17, s20  }
0x1a: {  	s15 =	sshll.u32 s31, $0x12;
	s16 =	sadd.s32 s16, s30;
	[tilespmem:s19+$0x3060 ss:$0x81] =	vst.msk $0xffff, v62;
	s17 =	sshll.u32 s17, $0x4  }
0x1b: {  	s15 =	sor.u32 $0x80, s15;
	[tilespmem:s19+$0x0 ss:$0x81] =	vst.msk $0xffff, v63;
	s16 =	sadd.s32 s17, s16  }
0x1c: {  	[hbm4b:s16+s15] =	stream.strided.scatter [tilespmem:s18], [sflag:$0x2], $0x4000, s11, s15, $0x20;
	[tilespmem:$0x10100] =	vst v63  }
.LBB1_5:
0x1d: {  	s18 =	sadd.s32 $0x4, s12  }
0x1e: {  	s15 =	sadd.s32 $0x100, s13;
	s19 =	smov.u32 s13;
	p2 =	sgt.s32 s18, $0xC7  }
0x1f: {  	s19 =	smov.u32 @p2 s15  }
0x20: {  	s18 =	smov.u32 @p2 s2;
	p2 =	sgt.s32 s19, $0xE0  }
0x21: {  	s19 =	smov.u32 @p2 s8;
	p2 =	sne.s32 s14, s10  }
.Ltmp1:
0x22: {  	p1 =	slt.u32 s14, $0x2;
	(pc) =	sbr.rel @!p2 .LBB1_6-.Ltmp1, $4  }
0x23: {  	s17 =	smov.u32 s12;
	s16 =	simm.s32 @!p1 $0x2  }
0x24: {  	p0 =	por !p0, !p0;
	_ =	swait.ge @!p1 [sflag:s16], $0x4000;
	s15 =	smov.u32 s13  }
0x25: {  	[sflag:s16] =	ssyncset.done @!p1 $0x0;
	s12 =	smov.u32 s18;
	s14 =	sadd.s32 $0x1, s14  }
0x26: {  	[sflag:s16] =	ssyncadd.s32 @!p1 $0xFFFFC000;
	s16 =	smov.u32 s3;
	s13 =	smov.u32 s19  }
.LBB1_1:
0x27: {  	p1 =	sge.u32 s14, s7  }
0x28: {  	s19 =	smov.u32 s13;
	s22 =	smov.u32 s12;
	s18 =	sshll.u32 @!p1 s12, $0xA  }
0x29: {  	p2 =	sgt.s32 @!p1 s13, $0x61;
	s21 =	sshra.s32 @!p1 s13, $0x1F;
	s23 =	sshra.s32 @!p1 s12, $0x1F  }
0x2a: {  	s18 =	sand.u32 @!p1 $0xFFFFE000, s18;
	p2 =	por !p2, p1;
	s21 =	sand.u32 @!p1 s21, s13  }
0x2b: {  	s18 =	sor.u32 @!p1 s9, s18;
	s19 =	simm.s32 @p2 $0x61;
	p2 =	sgt.s32 @!p1 s12, $0xC6  }
0x2c: {  	s23 =	sand.u32 @!p1 s23, s12;
	s18 =	sshrl.u32 @!p1 s18, $0xA;
	p2 =	por !p2, p1  }
0x2d: {  	s19 =	ssub.s32 @!p1 s19, s21;
	s20 =	smulhi.u32 @!p1 $0x147AE15, s18;
	s22 =	simm.s32 @p2 $0xC6  }
0x2e: {  	s19 =	sadd.s32 @!p1 $0xFFFFFF9F, s19;
	s21 =	ssub.s32 @!p1 s22, s23  }
0x2f: {  	p2 =	sgt.s32 @!p1 s19, $0x7F;
	s19 =	sshll.u32 @!p1 s19, $0x6;
	s20 =	smul.u32 @!p1 $0xC8, s20  }
0x30: {  	s31 =	sadd.s32 $0xFFFFFFFF, s14;
	s22 =	sadd.s32 @!p1 $0xFFFFFF3A, s21;
	s19 =	ssub.s32 @!p1 $0x2000, s19  }
0x31: {  	p2 =	por !p2, p1;
	p3 =	sgt.s32 @!p1 s22, $0x1;
	s18 =	ssub.s32 @!p1 s18, s20  }
0x32: {  	s20 =	ssub.s32 @!p1 $0xC8, s21;
	p3 =	por !p3, p1;
	s21 =	smul.u32 @!p1 $0x3200, s13  }
0x33: {  	s19 =	simm.s32 @!p2 $0x0;
	s22 =	sshll.u32 @!p1 s12, $0x3;
	s20 =	simm.s32 @!p3 $0x0  }
0x34: {  	s19 =	smul.u32 @!p1 s20, s19;
	s20 =	sand.u32 @!p1 $0x30, s22;
	s21 =	sadd.s32 @!p1 s4, s21  }
0x35: {  	s18 =	sshll.u32 @!p1 s18, $0x6;
	s22 =	sxor.u32 @!p1 $0xFFFFFFFF, s14;
	s20 =	sadd.s32 @!p1 s20, s21  }
0x36: {  	s21 =	simm.s32 @!p1 $0x80;
	s18 =	sadd.s32 @!p1 s18, s20;
	s20 =	sshll.u32 @!p1 s22, $0xE  }
0x37: {  	s19 =	sand.u32 @!p1 $0x3FFFFFC0, s19;
	s22 =	simm.s32 @!p1 $0x19000;
	s20 =	sand.u32 @!p1 $0x4000, s20  }
0x38: {  	[tilespmem:s20], [sflag:$0x1] =	stream.strided.gather @!p1 [hbm4b:s18+s21], s19, s22, s21, $0x38;
	[tilespmem:$0x10100] =	vst v63  }
0x39: {  	p1 =	sge.u32 s31, s7  }
.Ltmp2:
0x3a: {  	_ = 	snop;
	(pc) =	sbr.rel @p1 .LBB1_5-.Ltmp2, $1  }
0x3b: {  	_ =	sdelay $0x3  }
0x3c: {  	p1 =	sgt.s32 s15, $0x61;
	s18 =	smov.u32 s15  }
0x3d: {  	s19 =	sshra.s32 s15, $0x1F;
	s20 =	smov.u32 s17;
	s21 =	sshra.s32 s17, $0x1F  }
0x3e: {  	s18 =	simm.s32 @!p1 $0x61;
	s19 =	sand.u32 s19, s15;
	p1 =	sgt.s32 s17, $0xC6  }
0x3f: {  	s27 =	sand.u32 s21, s17;
	s18 =	ssub.s32 s18, s19;
	s20 =	simm.s32 @!p1 $0xC6  }
0x40: {  	s18 =	sadd.s32 $0xFFFFFF9F, s18;
	s19 =	ssub.s32 s20, s27  }
0x41: {  	p1 =	sgt.s32 s18, $0x7F;
	s20 =	sadd.s32 $0xFFFFFF3A, s19;
	s18 =	sshll.u32 s18, $0x6  }
0x42: {  	s19 =	ssub.s32 $0xC8, s19;
	p2 =	sgt.s32 s20, $0x1;
	s18 =	ssub.s32 $0x2000, s18  }
0x43: {  	s19 =	simm.s32 @p2 $0x0;
	s18 =	simm.s32 @p1 $0x0  }
0x44: {  	s18 =	smul.u32 s19, s18;
	_ =	sdelay $0x1  }
0x45: {  	s19 =	simm.s32 $0x1;
	s18 =	sand.u32 $0x3FFFFFC0, s18  }
0x46: {  	s19 =	simm.s32 @!p0 $0x0;
	_ =	swait.ge [sflag:s6], s18  }
0x47: {  	s28 =	sshll.u32 s19, $0xE;
	s18 =	ssub.s32 $0x0, s18;
	[sflag:s6] =	ssyncset.done $0x0  }
0x48: {  	s29 =	sor.u32 $0x40, s28;
	[sflag:s6] =	ssyncadd.s32 s18  }
0x49: {  	s30 =	smul.u32 $0x10200, s19;
	v0 =	vld [tilespmem:s29+$0x30]  }
0x4a: {  	v1 =	vld [tilespmem:s29+$0xFFFFFFD0]  }
0x4b: {  	s18 =	sshrl.u32 s30, $0x2;
	v5 =	vld [tilespmem:s29+$0xFFFFFFE0]  }
0x4c: {  	s19 =	sor.u32 $0x8000, s18;
	v6 =	vld [tilespmem:s29+$0xFFFFFFF0]  }
0x4d: {  	s31 =	sand.u32 $0x1, s14;
	v4 =	vld [tilespmem:s29+$0x0];
	s20 =	sadd.s32 $0x0, s19  }
0x4e: {  	s18 =	smul.u32 $0x10200, s31;
	v3 =	vld [tilespmem:s29+$0x10];
	[tilespmem:s20+$0x3870 ss:$0x81] =	vst.msk $0xffff, v0  }
0x4f: {  	v2 =	vld [tilespmem:s29+$0x20];
	[tilespmem:s20+$0x810 ss:$0x81] =	vst.msk $0xffff, v1  }
0x50: {  	s21 =	sadd.s32 $0x80, s29;
	s18 =	sshrl.u32 s18, $0x2;
	v0 =	vld [tilespmem:s29+$0xFFFFFFC0];
	[tilespmem:s20+$0x1020 ss:$0x81] =	vst.msk $0xffff, v5  }
0x51: {  	s22 =	simm.s32 $0x4;
	s23 =	simm.s32 $0x8;
	s18 =	sor.u32 $0x8000, s18;
	v1 =	vld [tilespmem:s21+$0x30];
	[tilespmem:s20+$0x1830 ss:$0x81] =	vst.msk $0xffff, v6  }
.LBB1_3:
0x52: {  	p1 =	sne.s32 s23, $0x1FC;
	v5 =	vld [tilespmem:s21+$0xFFFFFFD0];
	[tilespmem:s20+$0x2040 ss:$0x81] =	vst.msk $0xffff, v4  }
0x53: {  	v6 =	vld [tilespmem:s21+$0xFFFFFFE0];
	[tilespmem:s20+$0x2850 ss:$0x81] =	vst.msk $0xffff, v3  }
0x54: {  	s24 =	sshra.s32 s22, $0x2;
	s22 =	smov.u32 s23;
	v7 =	vld [tilespmem:s21+$0xFFFFFFF0];
	[tilespmem:s20+$0x3060 ss:$0x81] =	vst.msk $0xffff, v2  }
.Ltmp3:
0x55: {  	v4 =	vld [tilespmem:s21+$0x0];
	[tilespmem:s20+$0x0 ss:$0x81] =	vst.msk $0xffff, v0;
	s20 =	sadd.s32 s24, s19;
	(pc) =	sbr.rel @p1 .LBB1_3-.Ltmp3, $4  }
0x56: {  	v3 =	vld [tilespmem:s21+$0x10];
	[tilespmem:s20+$0x3870 ss:$0x81] =	vst.msk $0xffff, v1  }
0x57: {  	[tilespmem:s20+$0x810 ss:$0x81] =	vst.msk $0xffff, v5;
	v2 =	vld [tilespmem:s21+$0x20]  }
0x58: {  	v0 =	vld [tilespmem:s21+$0xFFFFFFC0];
	[tilespmem:s20+$0x1020 ss:$0x81] =	vst.msk $0xffff, v6;
	s21 =	sadd.s32 $0x80, s21  }
0x59: {  	s23 =	sadd.s32 $0x4, s23;
	v1 =	vld [tilespmem:s21+$0x30];
	[tilespmem:s20+$0x1830 ss:$0x81] =	vst.msk $0xffff, v7  }
.Ltmp4:
0x5a: {  	_ = 	snop;
	(pc) =	sbr.rel .LBB1_4-.Ltmp4, $1  }
0x5b: {  	_ =	sdelay $0x3  }
.LBB1_6:
0x5c: {  	_ =	sfence.sel $0x180000  }
0x5d: {  	s2 =	simm.s32 $0x1;
	[bflag:$0x0] =	sbarrier.arrive $0xFFFF  }
0x5e: {  	s31 =	simm.s32 $0x2;
	[sflag:s2] =	ssyncpa.u1 $0x1  }
0x5f: {  	[sflag:s31] =	ssyncpa.u1 $0x1  }
0x60: {  	p0 =	sne.s32 s0, $0x0;
	_ =	strace $0x90000047  }
0x61: {  	s0 =	sadd.s32 @!p0 $0x100000, s1;
	[bflag:$0x2] =	sbarrier.arrive $0xFFFF  }
0x62: {  	[sflag:s0] =	ssyncadd.tile.s32 @!p0 $0x1;
	_ =	shalt  }
.Lfunc_end1:
_tile_overlayer_lowered:
.L_overlay_start_2:
0x63: {  	(tag) =	ssettag $0x2  }
0x64: {  	s0 =	rddreg [dreg:$0x0];
	s2 =	stileid.u32  }
0x65: {  	s1 =	rddreg [dreg:$0x1];
	p0 =	sne.s32 s2, $0x0  }
0x66: {  	s3 =	rddreg [dreg:$0x2];
	[bflag:$0x3] =	sbarrier.arrive $0xFFFF;
	s2 =	simm.s32 @!p0 $0x1C01  }
0x67: {  	[timem:s3], [sflag:s2] =	dma.local @!p0 [hbm:s0], s1  }
0x68: {  	s0 =	simm.s32 @!p0 $0x1  }
0x69: {  	_ =	swait.ge @!p0 [sflag:s0], s1  }
0x6a: {  	s1 =	ssub.s32 @!p0 $0x0, s1;
	[sflag:s0] =	ssyncset.done @!p0 $0x0  }
0x6b: {  	[sflag:s0] =	ssyncadd.s32 @!p0 s1  }
0x6c: {  	[bflag:$0x3] =	sbarrier.arrive $0xFFFF  }
0x6d: {  	_ =	shalt  }

</sc_bundles>
